<compile_context>
chip_gen: v7x
topology: tpu7x:2x2x1
jax: 0.10.2.dev20260603
libtpu: 0.0.44.dev20260713+nightly
codegen_flags: <defaults>
</compile_context>

<pallas_src>
import functools

import jax
import jax.numpy as jnp
from jax import lax
from jax.experimental import pallas as pl
from jax.experimental.pallas import tpu as pltpu
from jax.experimental.pallas import tpu_sc as plsc

B, H, S, D, DM = 8, 16, 577, 1024, 64
DOM = 54
CTX = 10
KEEP = S - (DOM + 1)
STEP = max(1, KEEP // CTX)
NSEL = DOM + 1
OUT_T = NSEL + CTX
GSLOT = 64
NROWS = B * GSLOT

_HIGH = lax.Precision.HIGHEST
_DEF = lax.Precision.DEFAULT


def _mm_tn(a, bm, prec=_DEF):
    return lax.dot_general(a, bm, (((0,), (0,)), ((), ())), precision=prec)


def _mm(a, bm, prec=_DEF):
    return lax.dot_general(a, bm, (((1,), (0,)), ((), ())), precision=prec)


def _tc1_select(attn_cls_ref, sel_ref, idx_ref, gidx_ref):
    f32 = jnp.float32
    b = pl.program_id(0)

    ii = lax.broadcasted_iota(jnp.int32, (S, S), 0)
    jj = lax.broadcasted_iota(jnp.int32, (S, S), 1)

    attn = attn_cls_ref[b]
    v = jnp.sum(attn, axis=0, keepdims=True)
    col0 = lax.broadcasted_iota(jnp.int32, (1, S), 1) == 0
    v = jnp.where(col0, -jnp.inf, v)
    vcol = _mm_tn(v, jnp.ones((1, 1), f32), _HIGH)

    vi = jnp.broadcast_to(vcol, (S, S))
    vj = jnp.broadcast_to(v, (S, S))
    beats = (vi > vj) | ((vi == vj) & (ii < jj))
    nbeat = jnp.sum(beats.astype(jnp.int32), axis=1, keepdims=True)
    rank = (S - 1) - nbeat
    selc = rank < DOM

    pp = lax.broadcasted_iota(jnp.int32, (S, 128), 1)
    in_slot = ((jnp.broadcast_to(rank, (S, 128)) == pp - 1)
               & jnp.broadcast_to(selc, (S, 128)))
    ii128 = lax.broadcasted_iota(jnp.int32, (S, 128), 0)
    idx_row = jnp.sum(jnp.where(in_slot, ii128, 0), axis=0,
                      keepdims=True)
    idx_ref[b, 0:1, :] = idx_row

    icol = lax.broadcasted_iota(jnp.int32, (S, 1), 0)
    sel_col = (selc | (icol == 0)).astype(f32)
    lane = lax.broadcasted_iota(jnp.int32, (S, B), 1)

    @pl.when(b == 0)
    def _init():
        sel_ref[:, :] = jnp.zeros((S, B), f32)

    sel_ref[:, :] += jnp.where(lane == b, jnp.broadcast_to(sel_col, (S, B)),
                               0.0)
    ltT = (jj < ii).astype(f32)
    dom_rank = _mm(ltT, sel_col)

    dri = dom_rank.astype(jnp.int32)
    gslot = lax.broadcasted_iota(jnp.int32, (S, GSLOT), 1)
    dom_slot = ((jnp.broadcast_to(dri, (S, GSLOT)) == gslot)
                & jnp.broadcast_to(sel_col > 0.5, (S, GSLOT)))
    iig = lax.broadcasted_iota(jnp.int32, (S, GSLOT), 0)
    gidx = jnp.sum(jnp.where(dom_slot, iig * B + b, 0), axis=0,
                   keepdims=True)
    gidx_ref[pl.ds(b, 1), :] = gidx


def _tc2_merge(sel_ref, hid_ref, met_ref, ctx_ref):
    f32 = jnp.float32
    b = pl.program_id(0)

    ii = lax.broadcasted_iota(jnp.int32, (S, S), 0)
    jj = lax.broadcasted_iota(jnp.int32, (S, S), 1)

    lane = lax.broadcasted_iota(jnp.int32, (S, B), 1)
    sel_col = jnp.sum(jnp.where(lane == b, sel_ref[:, :], 0.0), axis=1,
                      keepdims=True)
    ltT = (jj < ii).astype(f32)
    dom_rank = _mm(ltT, sel_col)
    icol = lax.broadcasted_iota(jnp.int32, (S, 1), 0)
    unsel = 1.0 - sel_col
    f_rank = icol.astype(f32) - dom_rank

    t_id = jnp.floor((f_rank + 0.5) * (1.0 / STEP))
    is_target = ((unsel > 0.5) & (f_rank == t_id * float(STEP))
                 & (f_rank < float(STEP * CTX)))
    is_merge = (unsel > 0.5) & (~is_target)

    mt = met_ref[b]
    ss = jnp.sum(mt * mt, axis=0, keepdims=True)
    mn_t = mt / jnp.sqrt(ss)
    trow = lax.broadcasted_iota(jnp.int32, (S, 16), 1).astype(f32)
    tsel = ((jnp.broadcast_to(t_id, (S, 16)) == trow)
            & jnp.broadcast_to(is_target, (S, 16))).astype(f32)
    tmat_t = _mm(mn_t, tsel, _HIGH)
    sim = _mm_tn(mn_t, tmat_t)
    sim = jnp.where(trow < float(CTX), sim, -jnp.inf)
    mx = jnp.max(sim, axis=1, keepdims=True)
    assign = jnp.min(jnp.where(sim == mx, trow, 1e9), axis=1,
                     keepdims=True)
    amat = ((jnp.broadcast_to(assign, (S, 16)) == trow)
            & jnp.broadcast_to(is_merge, (S, 16))).astype(f32)
    counts = jnp.sum(amat, axis=0, keepdims=True)
    inv_counts = 1.0 / jnp.maximum(counts, 1.0)
    ct = tsel + amat * jnp.broadcast_to(inv_counts, (S, 16))

    hid = hid_ref[:, b, :]
    out_ctx = _mm_tn(ct, hid)
    ctx_ref[:, b, :] = out_ctx


_info = plsc.get_sparse_core_info()
_NC, _NS = _info.num_cores, _info.num_subcores
_RPW = NROWS // (_NC * _NS)

_sc_mesh = plsc.VectorSubcoreMesh(core_axis_name="c", subcore_axis_name="s")


@functools.partial(
    pl.kernel,
    mesh=_sc_mesh,
    out_type=jax.ShapeDtypeStruct((NROWS, D), jnp.float32),
    scratch_types=[
        pltpu.VMEM((_RPW,), jnp.int32),
        pltpu.VMEM((_RPW, D), jnp.float32),
        pltpu.SemaphoreType.DMA,
    ],
)
def _sc_gather(gidx_hbm, table_hbm, out_hbm, idx_v, rows_v, sem):
    wid = lax.axis_index("s") * _NC + lax.axis_index("c")
    base = wid * _RPW
    pltpu.sync_copy(gidx_hbm.at[pl.ds(base, _RPW)], idx_v)
    pltpu.async_copy(table_hbm.at[idx_v], rows_v, sem).wait()
    pltpu.sync_copy(rows_v, out_hbm.at[pl.ds(base, _RPW)])


@jax.jit
def kernel(attn_weights, hidden_states, metric):
    attn_cls = attn_weights[:, :, 0, :]
    hid_t = jnp.transpose(hidden_states, (1, 0, 2))
    met_t = jnp.transpose(metric, (0, 2, 1))
    sel, idx, gidx = pl.pallas_call(
        _tc1_select,
        grid=(B,),
        in_specs=[pl.BlockSpec((B, H, S), lambda b: (0, 0, 0))],
        out_specs=[
            pl.BlockSpec((S, B), lambda b: (0, 0)),
            pl.BlockSpec((B, 8, 128), lambda b: (0, 0, 0)),
            pl.BlockSpec((B, GSLOT), lambda b: (0, 0)),
        ],
        out_shape=[
            jax.ShapeDtypeStruct((S, B), jnp.float32),
            jax.ShapeDtypeStruct((B, 8, 128), jnp.int32),
            jax.ShapeDtypeStruct((B, GSLOT), jnp.int32),
        ],
    )(attn_cls)
    table = hid_t.reshape(S * B, D)
    dom_rows = _sc_gather(gidx.reshape(NROWS), table)
    ctx_t = pl.pallas_call(
        _tc2_merge,
        grid=(B,),
        in_specs=[
            pl.BlockSpec((S, B), lambda b: (0, 0)),
            pl.BlockSpec((S, B, D), lambda b: (0, 0, 0)),
            pl.BlockSpec((B, DM, S), lambda b: (0, 0, 0)),
        ],
        out_specs=pl.BlockSpec((16, B, D), lambda b: (0, 0, 0)),
        out_shape=jax.ShapeDtypeStruct((16, B, D), jnp.float32),
    )(sel, hid_t, met_t)
    dom = dom_rows.reshape(B, GSLOT, D)[:, :NSEL, :]
    ctx = jnp.transpose(ctx_t, (1, 0, 2))[:, :CTX, :]
    out = jnp.concatenate([dom, ctx], axis=1)
    return out, idx[:, 0, :NSEL]

# --- scband reference (transcript-rebuilt; emitter-appended) ---
"""Pipeline reference for scband-clipvision-tower-vision-zip-22204980920418 (READ-ONLY COPY).

The authoritative reference and input builder live on the scoring server;
editing this copy changes nothing except your own understanding.
"""

import jax, jax.numpy as jnp
import numpy as np

DOMINANT = 54
CONTEXTUAL = 10

def setup_inputs(seed: int = 0) -> dict:
    key = jax.random.key(seed)
    k1, k2, k3 = jax.random.split(key, 3)
    B, H, S, D, Dm = 8, 16, 577, 1024, 64
    attn_weights = jax.random.uniform(k1, (B, H, S, S), dtype=jnp.float32)
    hidden_states = jax.random.normal(k2, (B, S, D), dtype=jnp.float32)
    metric = jax.random.normal(k3, (B, S, Dm), dtype=jnp.float32)
    return {"attn_weights": attn_weights, "hidden_states": hidden_states, "metric": metric}

def reference(attn_weights, hidden_states, metric):
    B, H, S, _ = attn_weights.shape
    D = hidden_states.shape[2]
    dominant_num = DOMINANT
    contextual_num = CONTEXTUAL
    # CLS attention to all other tokens, summed over heads
    cls_attention = attn_weights[:, :, 0, 1:]               # [B, H, S-1]
    cls_attention_sum = cls_attention.sum(axis=1)           # [B, S-1]
    _, topk_idx = jax.lax.top_k(cls_attention_sum, dominant_num)
    topk_idx = topk_idx + 1                                 # shift past CLS
    all_indices = jnp.concatenate(
        [jnp.zeros((B, 1), dtype=topk_idx.dtype), topk_idx], axis=1)  # [B, dom+1]
    # mask: True = token NOT selected as dominant
    mask = jnp.ones((B, S), dtype=bool)
    mask = mask.at[jnp.arange(B)[:, None], all_indices].set(False)
    # dominant tokens in original positional order (stable argsort: False first)
    dom_order = jnp.argsort(mask, axis=1)[:, : dominant_num + 1]       # [B, dom+1]
    dominant_tokens = jnp.take_along_axis(hidden_states, dom_order[:, :, None], axis=1)
    keep = S - (dominant_num + 1)
    filt_order = jnp.argsort(~mask, axis=1)[:, :keep]                  # remaining tokens, original order
    metric_filtered = jnp.take_along_axis(metric, filt_order[:, :, None], axis=1)
    hidden_filtered = jnp.take_along_axis(hidden_states, filt_order[:, :, None], axis=1)
    metric_normalized = metric_filtered / jnp.linalg.norm(metric_filtered, axis=-1, keepdims=True)
    M = keep
    step = max(1, M // contextual_num)
    target_indices = jnp.arange(0, M, step)[:contextual_num]           # [ctx]
    target_tokens = metric_normalized[:, target_indices, :]
    is_target = jnp.zeros((M,), dtype=bool).at[target_indices].set(True)
    merge_idx = jnp.argsort(is_target)[: M - contextual_num]           # non-target, original order
    tokens_to_merge = metric_normalized[:, merge_idx, :]
    similarity = jnp.einsum('bmd,bnd->bmn', tokens_to_merge, target_tokens)
    assign_one_hot = jax.nn.one_hot(jnp.argmax(similarity, axis=2), contextual_num,
                                    dtype=hidden_filtered.dtype)       # [B, M-ctx, ctx]
    counts = jnp.clip(assign_one_hot.sum(axis=1), 1, None)[:, :, None]  # [B, ctx, 1]
    hidden_to_merge = hidden_filtered[:, merge_idx, :]
    aggregated_hidden = jnp.einsum('bmn,bmd->bnd', assign_one_hot, hidden_to_merge) / counts
    target_hidden = hidden_filtered[:, target_indices, :]
    contextual_tokens = target_hidden + aggregated_hidden
    hidden_states_save = jnp.concatenate([dominant_tokens, contextual_tokens], axis=1)
    return hidden_states_save, all_indices

if __name__ == "__main__":
    import jax
    _d = setup_inputs()
    print(jax.jit(kernel)(*tuple(_d.values())))

</pallas_src>

<mosaic_0001>
#map = affine_map<(d0, d1) -> (0)>
#map1 = affine_map<(d0, d1) -> (0, 0)>
module attributes {stable_mosaic.version = 14 : i64} {
  func.func @_sc_gather(%arg0: i32, %arg1: i32, %arg2: memref<512xi32, #tpu.memory_space<hbm>>, %arg3: memref<4616x1024xf32, #tpu.memory_space<hbm>>, %arg4: memref<512x1024xf32, #tpu.memory_space<hbm>>, %arg5: memref<16xi32, #tpu.memory_space<vmem>>, %arg6: memref<16x1024xf32, #tpu.memory_space<vmem>>, %arg7: memref<!tpu.dma_semaphore, #tpu.memory_space<semaphore_mem>>) attributes {dimension_semantics = [#tpu.dimension_semantics<core_parallel>, #tpu.dimension_semantics<subcore_parallel>], iteration_bounds = array<i64: 2, 16>, scalar_prefetch = 0 : i64, scratch_operands = 3 : i64, tpu.core_type = #tpu.core_type<sc_vector_subcore>, window_params = [{transform_indices = #map}, {transform_indices = #map1}, {transform_indices = #map1}]} {
    %mul3A = arith.constant 2 : i32
    %mul3A_0 = arith.muli %arg1, %mul3A : i32
    %add3A = arith.addi %mul3A_0, %arg0 : i32
    %mul3A_1 = arith.constant 16 : i32
    %mul3A_2 = arith.muli %add3A, %mul3A_1 : i32
    "tpu.region"() ({
      %run_scoped3A = tpu.sem_alloc : memref<!tpu.dma_semaphore, #tpu.memory_space<semaphore_mem>>
      %dma_start3A_7 = tpu.memref_slice %arg2[%mul3A_2] : memref<512xi32, #tpu.memory_space<hbm>> -> memref<16xi32, #tpu.memory_space<hbm>>
      %dma_start3A_8 = tpu.memref_slice %arg2[%mul3A_2] : memref<512xi32, #tpu.memory_space<hbm>> -> memref<16xi32, #tpu.memory_space<hbm>>
      tpu.enqueue_dma source(%dma_start3A_8 : memref<16xi32, #tpu.memory_space<hbm>>) target(%arg5 : memref<16xi32, #tpu.memory_space<vmem>>) target_semaphore(%run_scoped3A : memref<!tpu.dma_semaphore, #tpu.memory_space<semaphore_mem>>)
      %dma_wait3A_9 = tpu.memref_slice %arg2[%mul3A_2] : memref<512xi32, #tpu.memory_space<hbm>> -> memref<16xi32, #tpu.memory_space<hbm>>
      %dma_wait3A_10 = tpu.memref_slice %arg2[%mul3A_2] : memref<512xi32, #tpu.memory_space<hbm>> -> memref<16xi32, #tpu.memory_space<hbm>>
      tpu.wait_dma2 semaphore(%run_scoped3A : memref<!tpu.dma_semaphore, #tpu.memory_space<semaphore_mem>>) src(%dma_wait3A_10 : memref<16xi32, #tpu.memory_space<hbm>>) dst(%arg5 : memref<16xi32, #tpu.memory_space<vmem>>)
      tpu.yield
    }) : () -> ()
    %dma_start3A = arith.constant 0 : i32
    %dma_start3A_3 = arith.constant 0 : i32
    %dma_start3A_4 = tpu.memref_slice %arg3[%dma_start3A, %dma_start3A_3] : memref<4616x1024xf32, #tpu.memory_space<hbm>> -> memref<4616x1024xf32, #tpu.memory_space<hbm>>
    tpu.enqueue_indirect_dma source(%dma_start3A_4 : memref<4616x1024xf32, #tpu.memory_space<hbm>>) target(%arg6 : memref<16x1024xf32, #tpu.memory_space<vmem>>) offsets(%arg5 : memref<16xi32, #tpu.memory_space<vmem>>) semaphore(%arg7 : memref<!tpu.dma_semaphore, #tpu.memory_space<semaphore_mem>>)
    %dma_wait3A = arith.constant 0 : i32
    %dma_wait3A_5 = arith.constant 0 : i32
    %dma_wait3A_6 = tpu.memref_slice %arg3[%dma_wait3A, %dma_wait3A_5] : memref<4616x1024xf32, #tpu.memory_space<hbm>> -> memref<4616x1024xf32, #tpu.memory_space<hbm>>
    tpu.wait_indirect_dma semaphore(%arg7 : memref<!tpu.dma_semaphore, #tpu.memory_space<semaphore_mem>>) src(%dma_wait3A_6 : memref<4616x1024xf32, #tpu.memory_space<hbm>>) dst(%arg6 : memref<16x1024xf32, #tpu.memory_space<vmem>>)
    "tpu.region"() ({
      %run_scoped3A = tpu.sem_alloc : memref<!tpu.dma_semaphore, #tpu.memory_space<semaphore_mem>>
      %dma_start3A_7 = arith.constant 0 : i32
      %dma_start3A_8 = tpu.memref_slice %arg4[%mul3A_2, %dma_start3A_7] : memref<512x1024xf32, #tpu.memory_space<hbm>> -> memref<16x1024xf32, #tpu.memory_space<hbm>>
      %dma_start3A_9 = arith.constant 0 : i32
      %dma_start3A_10 = tpu.memref_slice %arg4[%mul3A_2, %dma_start3A_9] : memref<512x1024xf32, #tpu.memory_space<hbm>> -> memref<16x1024xf32, #tpu.memory_space<hbm>>
      tpu.enqueue_dma source(%arg6 : memref<16x1024xf32, #tpu.memory_space<vmem>>) target(%dma_start3A_10 : memref<16x1024xf32, #tpu.memory_space<hbm>>) target_semaphore(%run_scoped3A : memref<!tpu.dma_semaphore, #tpu.memory_space<semaphore_mem>>)
      %dma_wait3A_11 = arith.constant 0 : i32
      %dma_wait3A_12 = tpu.memref_slice %arg4[%mul3A_2, %dma_wait3A_11] : memref<512x1024xf32, #tpu.memory_space<hbm>> -> memref<16x1024xf32, #tpu.memory_space<hbm>>
      %dma_wait3A_13 = arith.constant 0 : i32
      %dma_wait3A_14 = tpu.memref_slice %arg4[%mul3A_2, %dma_wait3A_13] : memref<512x1024xf32, #tpu.memory_space<hbm>> -> memref<16x1024xf32, #tpu.memory_space<hbm>>
      tpu.wait_dma2 semaphore(%run_scoped3A : memref<!tpu.dma_semaphore, #tpu.memory_space<semaphore_mem>>) src(%arg6 : memref<16x1024xf32, #tpu.memory_space<vmem>>) dst(%dma_wait3A_14 : memref<16x1024xf32, #tpu.memory_space<hbm>>)
      tpu.yield
    }) : () -> ()
    return
  }
}

module attributes {stable_mosaic.version = 14 : i64} {
  func.func @_tc1_select(%arg0: i32, %arg1: memref<8x16x577xf32, #tpu.memory_space<vmem>>, %arg2: memref<577x8xf32, #tpu.memory_space<vmem>>, %arg3: memref<8x8x128xi32, #tpu.memory_space<vmem>>, %arg4: memref<8x64xi32, #tpu.memory_space<vmem>>) attributes {dimension_semantics = [#tpu.dimension_semantics<arbitrary>], iteration_bounds = array<i64: 8>, scalar_prefetch = 0 : i64, scratch_operands = 0 : i64, tpu.core_type = #tpu.core_type<tc>, window_params = [{pipeline_mode = #tpu.pipeline_mode<synchronous>, transform_indices = @transform_0, window_bounds = array<i64: 8, 16, 577>}, {pipeline_mode = #tpu.pipeline_mode<synchronous>, transform_indices = @transform_1, window_bounds = array<i64: 577, 8>}, {pipeline_mode = #tpu.pipeline_mode<synchronous>, transform_indices = @transform_2, window_bounds = array<i64: 8, 8, 128>}, {pipeline_mode = #tpu.pipeline_mode<synchronous>, transform_indices = @transform_3, window_bounds = array<i64: 8, 64>}]} {
    %iota3A = tpu.iota {dimensions = array<i32: 0>} : vector<577x577xi32>
    %iota3A_0 = tpu.iota {dimensions = array<i32: 1>} : vector<577x577xi32>
    %get3A = arith.index_cast %arg0 : i32 to index
    %get3A_1 = arith.constant 0 : index
    %get3A_2 = arith.constant 0 : index
    %get3A_3 = vector.load %arg1[%get3A, %get3A_1, %get3A_2] : memref<8x16x577xf32, #tpu.memory_space<vmem>>, vector<1x16x577xf32>
    %get3A_4 = vector.shape_cast %get3A_3 : vector<1x16x577xf32> to vector<16x577xf32>
    %reduce_sum3A = arith.constant dense<0.000000e+00> : vector<577xf32>
    %reduce_sum3A_5 = vector.multi_reduction <add>, %get3A_4, %reduce_sum3A [0] : vector<16x577xf32> to vector<577xf32>
    %broadcast_in_dim3A = vector.shape_cast %reduce_sum3A_5 : vector<577xf32> to vector<1x577xf32>
    %iota3A_6 = tpu.iota {dimensions = array<i32: 1>} : vector<1x577xi32>
    %eq3A = arith.constant 0 : i32
    %eq3A_7 = vector.broadcast %eq3A : i32 to vector<1x577xi32>
    %eq3A_8 = arith.cmpi eq, %iota3A_6, %eq3A_7 : vector<1x577xi32>
    %jit3A = arith.constant 0xFF800000 : f32
    %broadcast_in_dim3A_9 = vector.broadcast %jit3A : f32 to vector<1x577xf32>
    %select_n3A = arith.select %eq3A_8, %broadcast_in_dim3A_9, %broadcast_in_dim3A : vector<1x577xi1>, vector<1x577xf32>
    %broadcast_in_dim3A_10 = arith.constant 1.000000e+00 : f32
    %broadcast_in_dim3A_11 = vector.broadcast %broadcast_in_dim3A_10 : f32 to vector<1x1xf32>
    %dot_general3A = arith.constant dense<0.000000e+00> : vector<577x1xf32>
    %dot_general3A_12 = tpu.matmul %select_n3A, %broadcast_in_dim3A_11, %dot_general3A {dimension_numbers = #tpu.dot_dimension_numbers<[0], [0], [1], [1], [0, 1, 1, 1], [], []>, precision = #tpu.contract_precision<fp32>, transpose_lhs_hint = false} : vector<1x577xf32>, vector<1x1xf32>, vector<577x1xf32> -> vector<577x1xf32>
    %broadcast_in_dim3A_13 = vector.shape_cast %dot_general3A_12 : vector<577x1xf32> to vector<577x1xf32>
    %broadcast_in_dim3A_14 = vector.broadcast %broadcast_in_dim3A_13 : vector<577x1xf32> to vector<577x577xf32>
    %broadcast_in_dim3A_15 = vector.shape_cast %select_n3A : vector<1x577xf32> to vector<1x577xf32>
    %broadcast_in_dim3A_16 = vector.broadcast %broadcast_in_dim3A_15 : vector<1x577xf32> to vector<577x577xf32>
    %gt3A = arith.cmpf ogt, %broadcast_in_dim3A_14, %broadcast_in_dim3A_16 : vector<577x577xf32>
    %eq3A_17 = arith.cmpf oeq, %broadcast_in_dim3A_14, %broadcast_in_dim3A_16 : vector<577x577xf32>
    %lt3A = arith.cmpi slt, %iota3A, %iota3A_0 : vector<577x577xi32>
    %and3A = arith.andi %eq3A_17, %lt3A : vector<577x577xi1>
    %or3A = arith.ori %gt3A, %and3A : vector<577x577xi1>
    %convert_element_type3A = arith.extui %or3A : vector<577x577xi1> to vector<577x577xi32>
    %reduce_sum3A_18 = arith.constant dense<0> : vector<577xi32>
    %reduce_sum3A_19 = vector.multi_reduction <add>, %convert_element_type3A, %reduce_sum3A_18 [1] : vector<577x577xi32> to vector<577xi32>
    %broadcast_in_dim3A_20 = vector.shape_cast %reduce_sum3A_19 : vector<577xi32> to vector<577x1xi32>
    %sub3A = arith.constant 576 : i32
    %sub3A_21 = vector.broadcast %sub3A : i32 to vector<577x1xi32>
    %sub3A_22 = arith.subi %sub3A_21, %broadcast_in_dim3A_20 : vector<577x1xi32>
    %lt3A_23 = arith.constant 54 : i32
    %lt3A_24 = vector.broadcast %lt3A_23 : i32 to vector<577x1xi32>
    %lt3A_25 = arith.cmpi slt, %sub3A_22, %lt3A_24 : vector<577x1xi32>
    %iota3A_26 = tpu.iota {dimensions = array<i32: 1>} : vector<577x128xi32>
    %broadcast_in_dim3A_27 = vector.shape_cast %sub3A_22 : vector<577x1xi32> to vector<577x1xi32>
    %broadcast_in_dim3A_28 = vector.broadcast %broadcast_in_dim3A_27 : vector<577x1xi32> to vector<577x128xi32>
    %sub3A_29 = arith.constant 1 : i32
    %sub3A_30 = vector.broadcast %sub3A_29 : i32 to vector<577x128xi32>
    %sub3A_31 = arith.subi %iota3A_26, %sub3A_30 : vector<577x128xi32>
    %eq3A_32 = arith.cmpi eq, %broadcast_in_dim3A_28, %sub3A_31 : vector<577x128xi32>
    %broadcast_in_dim3A_33 = vector.shape_cast %lt3A_25 : vector<577x1xi1> to vector<577x1xi1>
    %broadcast_in_dim3A_34 = vector.broadcast %broadcast_in_dim3A_33 : vector<577x1xi1> to vector<577x128xi1>
    %and3A_35 = arith.andi %eq3A_32, %broadcast_in_dim3A_34 : vector<577x128xi1>
    %iota3A_36 = tpu.iota {dimensions = array<i32: 0>} : vector<577x128xi32>
    %jit3A_37 = arith.constant 0 : i32
    %broadcast_in_dim3A_38 = vector.broadcast %jit3A_37 : i32 to vector<577x128xi32>
    %select_n3A_39 = arith.select %and3A_35, %iota3A_36, %broadcast_in_dim3A_38 : vector<577x128xi1>, vector<577x128xi32>
    %reduce_sum3A_40 = arith.constant dense<0> : vector<128xi32>
    %reduce_sum3A_41 = vector.multi_reduction <add>, %select_n3A_39, %reduce_sum3A_40 [0] : vector<577x128xi32> to vector<128xi32>
    %broadcast_in_dim3A_42 = vector.shape_cast %reduce_sum3A_41 : vector<128xi32> to vector<1x128xi32>
    %swap3A = arith.index_cast %arg0 : i32 to index
    %swap3A_43 = arith.constant 0 : index
    %swap3A_44 = arith.constant 0 : index
    %swap3A_45 = vector.load %arg3[%swap3A, %swap3A_43, %swap3A_44] : memref<8x8x128xi32, #tpu.memory_space<vmem>>, vector<1x1x128xi32>
    %swap3A_46 = vector.shape_cast %swap3A_45 : vector<1x1x128xi32> to vector<1x128xi32>
    %swap3A_47 = vector.shape_cast %broadcast_in_dim3A_42 : vector<1x128xi32> to vector<1x1x128xi32>
    tpu.vector_store %arg3[%swap3A, %swap3A_43, %swap3A_44], %swap3A_47 {strides = array<i32>} : memref<8x8x128xi32, #tpu.memory_space<vmem>>, vector<1x1x128xi32>,
    %iota3A_48 = tpu.iota {dimensions = array<i32: 0>} : vector<577x1xi32>
    %eq3A_49 = arith.constant 0 : i32
    %eq3A_50 = vector.broadcast %eq3A_49 : i32 to vector<577x1xi32>
    %eq3A_51 = arith.cmpi eq, %iota3A_48, %eq3A_50 : vector<577x1xi32>
    %or3A_52 = arith.ori %lt3A_25, %eq3A_51 : vector<577x1xi1>
    %convert_element_type3A_53 = arith.extui %or3A_52 : vector<577x1xi1> to vector<577x1xi32>
    %convert_element_type3A_54 = arith.sitofp %convert_element_type3A_53 : vector<577x1xi32> to vector<577x1xf32>
    %iota3A_55 = tpu.iota {dimensions = array<i32: 1>} : vector<577x8xi32>
    %eq3A_56 = arith.constant 0 : i32
    %eq3A_57 = arith.cmpi eq, %arg0, %eq3A_56 : i32
    %convert_element_type3A_58 = arith.extui %eq3A_57 : i1 to i32
    %cond3A = arith.constant 0 : i32
    %cond3A_59 = arith.cmpi ne, %convert_element_type3A_58, %cond3A : i32
    scf.if %cond3A_59 {
      %broadcast_in_dim3A_103 = arith.constant 0.000000e+00 : f32
      %broadcast_in_dim3A_104 = vector.broadcast %broadcast_in_dim3A_103 : f32 to vector<577x8xf32>
      %swap3A_105 = arith.constant 0 : index
      %swap3A_106 = arith.constant 0 : index
      %swap3A_107 = vector.load %arg2[%swap3A_105, %swap3A_106] : memref<577x8xf32, #tpu.memory_space<vmem>>, vector<577x8xf32>
      tpu.vector_store %arg2[%swap3A_105, %swap3A_106], %broadcast_in_dim3A_104 {strides = array<i32>} : memref<577x8xf32, #tpu.memory_space<vmem>>, vector<577x8xf32>,
    } else {
    }
    %get3A_60 = arith.constant 0 : index
    %get3A_61 = arith.constant 0 : index
    %get3A_62 = vector.load %arg2[%get3A_60, %get3A_61] : memref<577x8xf32, #tpu.memory_space<vmem>>, vector<577x8xf32>
    %eq3A_63 = vector.broadcast %arg0 : i32 to vector<577x8xi32>
    %eq3A_64 = arith.cmpi eq, %iota3A_55, %eq3A_63 : vector<577x8xi32>
    %broadcast_in_dim3A_65 = vector.shape_cast %convert_element_type3A_54 : vector<577x1xf32> to vector<577x1xf32>
    %broadcast_in_dim3A_66 = vector.broadcast %broadcast_in_dim3A_65 : vector<577x1xf32> to vector<577x8xf32>
    %jit3A_67 = arith.constant 0.000000e+00 : f32
    %broadcast_in_dim3A_68 = vector.broadcast %jit3A_67 : f32 to vector<577x8xf32>
    %select_n3A_69 = arith.select %eq3A_64, %broadcast_in_dim3A_66, %broadcast_in_dim3A_68 : vector<577x8xi1>, vector<577x8xf32>
    %add3A = arith.addf %get3A_62, %select_n3A_69 : vector<577x8xf32>
    %swap3A_70 = arith.constant 0 : index
    %swap3A_71 = arith.constant 0 : index
    %swap3A_72 = vector.load %arg2[%swap3A_70, %swap3A_71] : memref<577x8xf32, #tpu.memory_space<vmem>>, vector<577x8xf32>
    tpu.vector_store %arg2[%swap3A_70, %swap3A_71], %add3A {strides = array<i32>} : memref<577x8xf32, #tpu.memory_space<vmem>>, vector<577x8xf32>,
    %lt3A_73 = arith.cmpi slt, %iota3A_0, %iota3A : vector<577x577xi32>
    %convert_element_type3A_74 = arith.extui %lt3A_73 : vector<577x577xi1> to vector<577x577xi32>
    %convert_element_type3A_75 = arith.sitofp %convert_element_type3A_74 : vector<577x577xi32> to vector<577x577xf32>
    %dot_general3A_76 = arith.constant dense<0.000000e+00> : vector<577x1xf32>
    %dot_general3A_77 = tpu.matmul %convert_element_type3A_75, %convert_element_type3A_54, %dot_general3A_76 {dimension_numbers = #tpu.dot_dimension_numbers<[1], [0], [0], [1], [0, 0, 1, 1], [], []>, transpose_lhs_hint = false} : vector<577x577xf32>, vector<577x1xf32>, vector<577x1xf32> -> vector<577x1xf32>
    %convert_element_type3A_78 = arith.fptosi %dot_general3A_77 : vector<577x1xf32> to vector<577x1xi32>
    %iota3A_79 = tpu.iota {dimensions = array<i32: 1>} : vector<577x64xi32>
    %broadcast_in_dim3A_80 = vector.shape_cast %convert_element_type3A_78 : vector<577x1xi32> to vector<577x1xi32>
    %broadcast_in_dim3A_81 = vector.broadcast %broadcast_in_dim3A_80 : vector<577x1xi32> to vector<577x64xi32>
    %eq3A_82 = arith.cmpi eq, %broadcast_in_dim3A_81, %iota3A_79 : vector<577x64xi32>
    %gt3A_83 = arith.constant 5.000000e-01 : f32
    %gt3A_84 = vector.broadcast %gt3A_83 : f32 to vector<577x1xf32>
    %gt3A_85 = arith.cmpf ogt, %convert_element_type3A_54, %gt3A_84 : vector<577x1xf32>
    %broadcast_in_dim3A_86 = vector.shape_cast %gt3A_85 : vector<577x1xi1> to vector<577x1xi1>
    %broadcast_in_dim3A_87 = vector.broadcast %broadcast_in_dim3A_86 : vector<577x1xi1> to vector<577x64xi1>
    %and3A_88 = arith.andi %eq3A_82, %broadcast_in_dim3A_87 : vector<577x64xi1>
    %iota3A_89 = tpu.iota {dimensions = array<i32: 0>} : vector<577x64xi32>
    %mul3A = arith.constant 8 : i32
    %mul3A_90 = vector.broadcast %mul3A : i32 to vector<577x64xi32>
    %mul3A_91 = arith.muli %iota3A_89, %mul3A_90 : vector<577x64xi32>
    %add3A_92 = vector.broadcast %arg0 : i32 to vector<577x64xi32>
    %add3A_93 = arith.addi %mul3A_91, %add3A_92 : vector<577x64xi32>
    %jit3A_94 = arith.constant 0 : i32
    %broadcast_in_dim3A_95 = vector.broadcast %jit3A_94 : i32 to vector<577x64xi32>
    %select_n3A_96 = arith.select %and3A_88, %add3A_93, %broadcast_in_dim3A_95 : vector<577x64xi1>, vector<577x64xi32>
    %reduce_sum3A_97 = arith.constant dense<0> : vector<64xi32>
    %reduce_sum3A_98 = vector.multi_reduction <add>, %select_n3A_96, %reduce_sum3A_97 [0] : vector<577x64xi32> to vector<64xi32>
    %broadcast_in_dim3A_99 = vector.shape_cast %reduce_sum3A_98 : vector<64xi32> to vector<1x64xi32>
    %swap3A_100 = arith.index_cast %arg0 : i32 to index
    %swap3A_101 = arith.constant 0 : index
    %swap3A_102 = vector.load %arg4[%swap3A_100, %swap3A_101] : memref<8x64xi32, #tpu.memory_space<vmem>>, vector<1x64xi32>
    tpu.vector_store %arg4[%swap3A_100, %swap3A_101], %broadcast_in_dim3A_99 {strides = array<i32>} : memref<8x64xi32, #tpu.memory_space<vmem>>, vector<1x64xi32>,
    return
  }
  func.func @transform_0(%arg0: i32) -> (i32, i32, i32) {
    %c0_i32 = arith.constant 0 : i32
    %c0_i32_0 = arith.constant 0 : i32
    %c0_i32_1 = arith.constant 0 : i32
    %c0_i32_2 = arith.constant 0 : i32
    return %c0_i32, %c0_i32_0, %c0_i32_1 : i32, i32, i32
  }
  func.func @transform_1(%arg0: i32) -> (i32, i32) {
    %c0_i32 = arith.constant 0 : i32
    %c0_i32_0 = arith.constant 0 : i32
    %c0_i32_1 = arith.constant 0 : i32
    return %c0_i32, %c0_i32_0 : i32, i32
  }
  func.func @transform_2(%arg0: i32) -> (i32, i32, i32) {
    %c0_i32 = arith.constant 0 : i32
    %c0_i32_0 = arith.constant 0 : i32
    %c0_i32_1 = arith.constant 0 : i32
    %c0_i32_2 = arith.constant 0 : i32
    return %c0_i32, %c0_i32_0, %c0_i32_1 : i32, i32, i32
  }
  func.func @transform_3(%arg0: i32) -> (i32, i32) {
    %c0_i32 = arith.constant 0 : i32
    %c0_i32_0 = arith.constant 0 : i32
    %c0_i32_1 = arith.constant 0 : i32
    return %c0_i32, %c0_i32_0 : i32, i32
  }
}

module attributes {stable_mosaic.version = 14 : i64} {
  func.func @_tc2_merge(%arg0: i32, %arg1: memref<577x8xf32, #tpu.memory_space<vmem>>, %arg2: memref<577x8x1024xf32, #tpu.memory_space<vmem>>, %arg3: memref<8x64x577xf32, #tpu.memory_space<vmem>>, %arg4: memref<16x8x1024xf32, #tpu.memory_space<vmem>>) attributes {dimension_semantics = [#tpu.dimension_semantics<arbitrary>], iteration_bounds = array<i64: 8>, scalar_prefetch = 0 : i64, scratch_operands = 0 : i64, tpu.core_type = #tpu.core_type<tc>, window_params = [{pipeline_mode = #tpu.pipeline_mode<synchronous>, transform_indices = @transform_0, window_bounds = array<i64: 577, 8>}, {pipeline_mode = #tpu.pipeline_mode<synchronous>, transform_indices = @transform_1, window_bounds = array<i64: 577, 8, 1024>}, {pipeline_mode = #tpu.pipeline_mode<synchronous>, transform_indices = @transform_2, window_bounds = array<i64: 8, 64, 577>}, {pipeline_mode = #tpu.pipeline_mode<synchronous>, transform_indices = @transform_3, window_bounds = array<i64: 16, 8, 1024>}]} {
    %iota3A = tpu.iota {dimensions = array<i32: 0>} : vector<577x577xi32>
    %iota3A_0 = tpu.iota {dimensions = array<i32: 1>} : vector<577x577xi32>
    %iota3A_1 = tpu.iota {dimensions = array<i32: 1>} : vector<577x8xi32>
    %eq3A = vector.broadcast %arg0 : i32 to vector<577x8xi32>
    %eq3A_2 = arith.cmpi eq, %iota3A_1, %eq3A : vector<577x8xi32>
    %get3A = arith.constant 0 : index
    %get3A_3 = arith.constant 0 : index
    %get3A_4 = vector.load %arg1[%get3A, %get3A_3] : memref<577x8xf32, #tpu.memory_space<vmem>>, vector<577x8xf32>
    %jit3A = arith.constant 0.000000e+00 : f32
    %broadcast_in_dim3A = vector.broadcast %jit3A : f32 to vector<577x8xf32>
    %select_n3A = arith.select %eq3A_2, %get3A_4, %broadcast_in_dim3A : vector<577x8xi1>, vector<577x8xf32>
    %reduce_sum3A = arith.constant dense<0.000000e+00> : vector<577xf32>
    %reduce_sum3A_5 = vector.multi_reduction <add>, %select_n3A, %reduce_sum3A [1] : vector<577x8xf32> to vector<577xf32>
    %broadcast_in_dim3A_6 = vector.shape_cast %reduce_sum3A_5 : vector<577xf32> to vector<577x1xf32>
    %lt3A = arith.cmpi slt, %iota3A_0, %iota3A : vector<577x577xi32>
    %convert_element_type3A = arith.extui %lt3A : vector<577x577xi1> to vector<577x577xi32>
    %convert_element_type3A_7 = arith.sitofp %convert_element_type3A : vector<577x577xi32> to vector<577x577xf32>
    %dot_general3A = arith.constant dense<0.000000e+00> : vector<577x1xf32>
    %dot_general3A_8 = tpu.matmul %convert_element_type3A_7, %broadcast_in_dim3A_6, %dot_general3A {dimension_numbers = #tpu.dot_dimension_numbers<[1], [0], [0], [1], [0, 0, 1, 1], [], []>, transpose_lhs_hint = false} : vector<577x577xf32>, vector<577x1xf32>, vector<577x1xf32> -> vector<577x1xf32>
    %iota3A_9 = tpu.iota {dimensions = array<i32: 0>} : vector<577x1xi32>
    %sub3A = arith.constant 1.000000e+00 : f32
    %sub3A_10 = vector.broadcast %sub3A : f32 to vector<577x1xf32>
    %sub3A_11 = arith.subf %sub3A_10, %broadcast_in_dim3A_6 : vector<577x1xf32>
    %convert_element_type3A_12 = arith.sitofp %iota3A_9 : vector<577x1xi32> to vector<577x1xf32>
    %sub3A_13 = arith.subf %convert_element_type3A_12, %dot_general3A_8 : vector<577x1xf32>
    %add3A = arith.constant 5.000000e-01 : f32
    %add3A_14 = vector.broadcast %add3A : f32 to vector<577x1xf32>
    %add3A_15 = arith.addf %sub3A_13, %add3A_14 : vector<577x1xf32>
    %mul3A = arith.constant 0.0192307699 : f32
    %mul3A_16 = vector.broadcast %mul3A : f32 to vector<577x1xf32>
    %mul3A_17 = arith.mulf %add3A_15, %mul3A_16 : vector<577x1xf32>
    %floor3A = math.floor %mul3A_17 : vector<577x1xf32>
    %gt3A = arith.constant 5.000000e-01 : f32
    %gt3A_18 = vector.broadcast %gt3A : f32 to vector<577x1xf32>
    %gt3A_19 = arith.cmpf ogt, %sub3A_11, %gt3A_18 : vector<577x1xf32>
    %mul3A_20 = arith.constant 5.200000e+01 : f32
    %mul3A_21 = vector.broadcast %mul3A_20 : f32 to vector<577x1xf32>
    %mul3A_22 = arith.mulf %floor3A, %mul3A_21 : vector<577x1xf32>
    %eq3A_23 = arith.cmpf oeq, %sub3A_13, %mul3A_22 : vector<577x1xf32>
    %and3A = arith.andi %gt3A_19, %eq3A_23 : vector<577x1xi1>
    %lt3A_24 = arith.constant 5.200000e+02 : f32
    %lt3A_25 = vector.broadcast %lt3A_24 : f32 to vector<577x1xf32>
    %lt3A_26 = arith.cmpf olt, %sub3A_13, %lt3A_25 : vector<577x1xf32>
    %and3A_27 = arith.andi %and3A, %lt3A_26 : vector<577x1xi1>
    %gt3A_28 = arith.constant 5.000000e-01 : f32
    %gt3A_29 = vector.broadcast %gt3A_28 : f32 to vector<577x1xf32>
    %gt3A_30 = arith.cmpf ogt, %sub3A_11, %gt3A_29 : vector<577x1xf32>
    %not3A = arith.constant dense<true> : vector<577x1xi1>
    %not3A_31 = arith.xori %and3A_27, %not3A : vector<577x1xi1>
    %and3A_32 = arith.andi %gt3A_30, %not3A_31 : vector<577x1xi1>
    %get3A_33 = arith.index_cast %arg0 : i32 to index
    %get3A_34 = arith.constant 0 : index
    %get3A_35 = arith.constant 0 : index
    %get3A_36 = vector.load %arg3[%get3A_33, %get3A_34, %get3A_35] : memref<8x64x577xf32, #tpu.memory_space<vmem>>, vector<1x64x577xf32>
    %get3A_37 = vector.shape_cast %get3A_36 : vector<1x64x577xf32> to vector<64x577xf32>
    %mul3A_38 = arith.mulf %get3A_37, %get3A_37 : vector<64x577xf32>
    %reduce_sum3A_39 = arith.constant dense<0.000000e+00> : vector<577xf32>
    %reduce_sum3A_40 = vector.multi_reduction <add>, %mul3A_38, %reduce_sum3A_39 [0] : vector<64x577xf32> to vector<577xf32>
    %broadcast_in_dim3A_41 = vector.shape_cast %reduce_sum3A_40 : vector<577xf32> to vector<1x577xf32>
    %sqrt3A = math.sqrt %broadcast_in_dim3A_41 : vector<1x577xf32>
    %div3A = vector.broadcast %sqrt3A : vector<1x577xf32> to vector<64x577xf32>
    %div3A_42 = arith.divf %get3A_37, %div3A : vector<64x577xf32>
    %iota3A_43 = tpu.iota {dimensions = array<i32: 1>} : vector<577x16xi32>
    %convert_element_type3A_44 = arith.sitofp %iota3A_43 : vector<577x16xi32> to vector<577x16xf32>
    %broadcast_in_dim3A_45 = vector.shape_cast %floor3A : vector<577x1xf32> to vector<577x1xf32>
    %broadcast_in_dim3A_46 = vector.broadcast %broadcast_in_dim3A_45 : vector<577x1xf32> to vector<577x16xf32>
    %eq3A_47 = arith.cmpf oeq, %broadcast_in_dim3A_46, %convert_element_type3A_44 : vector<577x16xf32>
    %broadcast_in_dim3A_48 = vector.shape_cast %and3A_27 : vector<577x1xi1> to vector<577x1xi1>
    %broadcast_in_dim3A_49 = vector.broadcast %broadcast_in_dim3A_48 : vector<577x1xi1> to vector<577x16xi1>
    %and3A_50 = arith.andi %eq3A_47, %broadcast_in_dim3A_49 : vector<577x16xi1>
    %convert_element_type3A_51 = arith.extui %and3A_50 : vector<577x16xi1> to vector<577x16xi32>
    %convert_element_type3A_52 = arith.sitofp %convert_element_type3A_51 : vector<577x16xi32> to vector<577x16xf32>
    %dot_general3A_53 = arith.constant dense<0.000000e+00> : vector<64x16xf32>
    %dot_general3A_54 = tpu.matmul %div3A_42, %convert_element_type3A_52, %dot_general3A_53 {dimension_numbers = #tpu.dot_dimension_numbers<[1], [0], [0], [1], [0, 0, 1, 1], [], []>, precision = #tpu.contract_precision<fp32>, transpose_lhs_hint = false} : vector<64x577xf32>, vector<577x16xf32>, vector<64x16xf32> -> vector<64x16xf32>
    %dot_general3A_55 = arith.constant dense<0.000000e+00> : vector<577x16xf32>
    %dot_general3A_56 = tpu.matmul %div3A_42, %dot_general3A_54, %dot_general3A_55 {dimension_numbers = #tpu.dot_dimension_numbers<[0], [0], [1], [1], [0, 1, 1, 1], [], []>, transpose_lhs_hint = false} : vector<64x577xf32>, vector<64x16xf32>, vector<577x16xf32> -> vector<577x16xf32>
    %lt3A_57 = arith.constant 1.000000e+01 : f32
    %lt3A_58 = vector.broadcast %lt3A_57 : f32 to vector<577x16xf32>
    %lt3A_59 = arith.cmpf olt, %convert_element_type3A_44, %lt3A_58 : vector<577x16xf32>
    %jit3A_60 = arith.constant 0xFF800000 : f32
    %broadcast_in_dim3A_61 = vector.broadcast %jit3A_60 : f32 to vector<577x16xf32>
    %select_n3A_62 = arith.select %lt3A_59, %dot_general3A_56, %broadcast_in_dim3A_61 : vector<577x16xi1>, vector<577x16xf32>
    %reduce_max3A = arith.constant dense<0xFF800000> : vector<577xf32>
    %reduce_max3A_63 = vector.multi_reduction <maximumf>, %select_n3A_62, %reduce_max3A [1] : vector<577x16xf32> to vector<577xf32>
    %broadcast_in_dim3A_64 = vector.shape_cast %reduce_max3A_63 : vector<577xf32> to vector<577x1xf32>
    %eq3A_65 = vector.broadcast %broadcast_in_dim3A_64 : vector<577x1xf32> to vector<577x16xf32>
    %eq3A_66 = arith.cmpf oeq, %select_n3A_62, %eq3A_65 : vector<577x16xf32>
    %jit3A_67 = arith.constant 1.000000e+09 : f32
    %broadcast_in_dim3A_68 = vector.broadcast %jit3A_67 : f32 to vector<577x16xf32>
    %select_n3A_69 = arith.select %eq3A_66, %convert_element_type3A_44, %broadcast_in_dim3A_68 : vector<577x16xi1>, vector<577x16xf32>
    %reduce_min3A = arith.constant dense<0x7F800000> : vector<577xf32>
    %reduce_min3A_70 = vector.multi_reduction <minimumf>, %select_n3A_69, %reduce_min3A [1] : vector<577x16xf32> to vector<577xf32>
    %broadcast_in_dim3A_71 = vector.shape_cast %reduce_min3A_70 : vector<577xf32> to vector<577x1xf32>
    %broadcast_in_dim3A_72 = vector.shape_cast %broadcast_in_dim3A_71 : vector<577x1xf32> to vector<577x1xf32>
    %broadcast_in_dim3A_73 = vector.broadcast %broadcast_in_dim3A_72 : vector<577x1xf32> to vector<577x16xf32>
    %eq3A_74 = arith.cmpf oeq, %broadcast_in_dim3A_73, %convert_element_type3A_44 : vector<577x16xf32>
    %broadcast_in_dim3A_75 = vector.shape_cast %and3A_32 : vector<577x1xi1> to vector<577x1xi1>
    %broadcast_in_dim3A_76 = vector.broadcast %broadcast_in_dim3A_75 : vector<577x1xi1> to vector<577x16xi1>
    %and3A_77 = arith.andi %eq3A_74, %broadcast_in_dim3A_76 : vector<577x16xi1>
    %convert_element_type3A_78 = arith.extui %and3A_77 : vector<577x16xi1> to vector<577x16xi32>
    %convert_element_type3A_79 = arith.sitofp %convert_element_type3A_78 : vector<577x16xi32> to vector<577x16xf32>
    %reduce_sum3A_80 = arith.constant dense<0.000000e+00> : vector<16xf32>
    %reduce_sum3A_81 = vector.multi_reduction <add>, %convert_element_type3A_79, %reduce_sum3A_80 [0] : vector<577x16xf32> to vector<16xf32>
    %broadcast_in_dim3A_82 = vector.shape_cast %reduce_sum3A_81 : vector<16xf32> to vector<1x16xf32>
    %max3A = arith.constant 1.000000e+00 : f32
    %max3A_83 = vector.broadcast %max3A : f32 to vector<1x16xf32>
    %max3A_84 = arith.maximumf %broadcast_in_dim3A_82, %max3A_83 : vector<1x16xf32>
    %div3A_85 = arith.constant 1.000000e+00 : f32
    %div3A_86 = vector.broadcast %div3A_85 : f32 to vector<1x16xf32>
    %div3A_87 = arith.divf %div3A_86, %max3A_84 : vector<1x16xf32>
    %broadcast_in_dim3A_88 = vector.shape_cast %div3A_87 : vector<1x16xf32> to vector<1x16xf32>
    %broadcast_in_dim3A_89 = vector.broadcast %broadcast_in_dim3A_88 : vector<1x16xf32> to vector<577x16xf32>
    %mul3A_90 = arith.mulf %convert_element_type3A_79, %broadcast_in_dim3A_89 : vector<577x16xf32>
    %add3A_91 = arith.addf %convert_element_type3A_52, %mul3A_90 : vector<577x16xf32>
    %get3A_92 = arith.constant 0 : index
    %get3A_93 = arith.index_cast %arg0 : i32 to index
    %get3A_94 = arith.constant 0 : index
    %get3A_95 = vector.load %arg2[%get3A_92, %get3A_93, %get3A_94] : memref<577x8x1024xf32, #tpu.memory_space<vmem>>, vector<577x1x1024xf32>
    %get3A_96 = vector.shape_cast %get3A_95 : vector<577x1x1024xf32> to vector<577x1024xf32>
    %dot_general3A_97 = arith.constant dense<0.000000e+00> : vector<16x1024xf32>
    %dot_general3A_98 = tpu.matmul %add3A_91, %get3A_96, %dot_general3A_97 {dimension_numbers = #tpu.dot_dimension_numbers<[0], [0], [1], [1], [0, 1, 1, 1], [], []>, transpose_lhs_hint = false} : vector<577x16xf32>, vector<577x1024xf32>, vector<16x1024xf32> -> vector<16x1024xf32>
    %swap3A = arith.constant 0 : index
    %swap3A_99 = arith.index_cast %arg0 : i32 to index
    %swap3A_100 = arith.constant 0 : index
    %swap3A_101 = vector.load %arg4[%swap3A, %swap3A_99, %swap3A_100] : memref<16x8x1024xf32, #tpu.memory_space<vmem>>, vector<16x1x1024xf32>
    %swap3A_102 = vector.shape_cast %swap3A_101 : vector<16x1x1024xf32> to vector<16x1024xf32>
    %swap3A_103 = vector.shape_cast %dot_general3A_98 : vector<16x1024xf32> to vector<16x1x1024xf32>
    tpu.vector_store %arg4[%swap3A, %swap3A_99, %swap3A_100], %swap3A_103 {strides = array<i32>} : memref<16x8x1024xf32, #tpu.memory_space<vmem>>, vector<16x1x1024xf32>,
    return
  }
  func.func @transform_0(%arg0: i32) -> (i32, i32) {
    %c0_i32 = arith.constant 0 : i32
    %c0_i32_0 = arith.constant 0 : i32
    %c0_i32_1 = arith.constant 0 : i32
    return %c0_i32, %c0_i32_0 : i32, i32
  }
  func.func @transform_1(%arg0: i32) -> (i32, i32, i32) {
    %c0_i32 = arith.constant 0 : i32
    %c0_i32_0 = arith.constant 0 : i32
    %c0_i32_1 = arith.constant 0 : i32
    %c0_i32_2 = arith.constant 0 : i32
    return %c0_i32, %c0_i32_0, %c0_i32_1 : i32, i32, i32
  }
  func.func @transform_2(%arg0: i32) -> (i32, i32, i32) {
    %c0_i32 = arith.constant 0 : i32
    %c0_i32_0 = arith.constant 0 : i32
    %c0_i32_1 = arith.constant 0 : i32
    %c0_i32_2 = arith.constant 0 : i32
    return %c0_i32, %c0_i32_0, %c0_i32_1 : i32, i32, i32
  }
  func.func @transform_3(%arg0: i32) -> (i32, i32, i32) {
    %c0_i32 = arith.constant 0 : i32
    %c0_i32_0 = arith.constant 0 : i32
    %c0_i32_1 = arith.constant 0 : i32
    %c0_i32_2 = arith.constant 0 : i32
    return %c0_i32, %c0_i32_0, %c0_i32_1 : i32, i32, i32
  }
}

</mosaic_0001>

<sc_bundles>
// kernel: kernel.5.cloned.1.call-start
scs
__scs_entry_jumppad:
0x0: {  	(pc) =	sbr.rel $0x88, $3  }
0x1: {  	(tag) =	ssettag $0x0;
	lr =	simm.s32 $0x1  }
0x2: {  	[smem:$0x3F9E] =	sst lr;
	_ =	strace $0xD0000000  }
0x3: {  	_ = 	snop  }
0x4: {  	_ = 	snop  }
0x5: {  	_ = 	snop  }
0x6: {  	_ = 	snop  }
0x7: {  	_ = 	snop  }
__scs_overlays_trampoline_lowered:
0x8: {  	[smem:$0x3FAD] =	sst s0  }
0x9: {  	[smem:$0x3FAE] =	sst s1  }
0xa: {  	[smem:$0x3FAF] =	sst s2  }
0xb: {  	[smem:$0x3FB0] =	sst s3  }
0xc: {  	[smem:$0x3FB1] =	sst s4  }
0xd: {  	[smem:$0x3FB2] =	sst s5  }
0xe: {  	[smem:$0x3FB3] =	sst s6  }
0xf: {  	[smem:$0x3FB4] =	sst s7  }
0x10: {  	[smem:$0x3FB5] =	sst s8  }
0x11: {  	[smem:$0x3FB6] =	sst s9;
	s0 =	simm.s32 @!p0 $0x0  }
0x12: {  	s1 =	sld [smem:$0x3F9C];
	s0 =	simm.s32 @p0 $0x1  }
0x13: {  	[smem:$0x3FB7] =	sst s0;
	s0 =	simm.s32 @!p1 $0x0  }
0x14: {  	s2 =	sld [smem:$0x3F9B];
	s0 =	simm.s32 @p1 $0x1  }
0x15: {  	[smem:$0x3FB8] =	sst s0;
	s0 =	simm.s32 @!p2 $0x0  }
0x16: {  	s3 =	sld [smem:$0x3FDB];
	s0 =	simm.s32 @p2 $0x1  }
0x17: {  	s4 =	simm.s32 $0x1BF5;
	[smem:$0x3FBA] =	sst s0  }
0x18: {  	s0 =	sld [smem:$0x3F9D];
	_ =	swait.ge [sflag:s4], $0x0  }
0x19: {  	s7 =	sld [smem:$0x3F9E]  }
0x1a: {  	s8 =	sadd.s32 $0xFFFFE003, lr  }
0x1b: {  	s9 =	sadd.s32 $0xFFFFFEF7, lr;
	s5 =	simm.s32 $0xFFFFFFFF;
	p2 =	slt.u32 s8, $0xFFFFF086  }
0x1c: {  	p1 =	slt.u32 s9, $0xF7A;
	s5 =	simm.s32 @!p2 $0x0  }
0x1d: {  	s5 =	simm.s32 @p1 $0x1;
	p0 =	seq.s32 s7, s2  }
0x1e: {  	s7 =	smul.u32 @!p0 $0xF7A, s2;
	p2 =	seq.s32 @!p0 s5, $0x0  }
0x1f: {  	s9 =	smul.u32 $0xF7A, s1;
	s8 =	simm.s32 @!p0 $0x1BF5;
	p2 =	por !p2, p0  }
0x20: {  	[sflag:s8] =	ssyncset.s32 @!p0 $0xFFFFF086;
	s6 =	sadd.s32 @!p0 s3, s7;
	s7 =	simm.s32 @!p0 $0x108  }
0x21: {  	s3 =	sadd.s32 s3, s9;
	s6 =	sadd.s32 @!p0 $0x88, s6;
	s7 =	simm.s32 @p2 $0x1082  }
0x22: {  	[simem:s7], [sflag:s8] =	dma.local @!p0 [hbm:s6], $0xF7A  }
0x23: {  	s9 =	sor.u32 $0xD0000000, s2;
	s6 =	simm.s32 $0x108;
	_ =	swait.ge @!p0 [sflag:s8], $0x0  }
0x24: {  	s3 =	sadd.s32 $0x88, s3;
	s6 =	simm.s32 @!p1 $0x1082;
	[sflag:s4] =	ssyncset.s32 $0xFFFFF086  }
0x25: {  	[simem:s6], [sflag:s4] =	dma.local [hbm:s3], $0xF7A  }
0x26: {  	[smem:$0x3F9E] =	sst s1;
	(tag) =	ssettag s2;
	_ =	strace s9  }
0x27: {  	s1 =	sld [smem:$0x3FAE]  }
0x28: {  	s2 =	sld [smem:$0x3FAF]  }
0x29: {  	s4 =	sld [smem:$0x3FB1]  }
0x2a: {  	p0 =	seq.s32 s5, $0x0;
	s5 =	sld [smem:$0x3FB2]  }
0x2b: {  	s6 =	sld [smem:$0x3FB3]  }
0x2c: {  	s7 =	sld [smem:$0x3FB4]  }
0x2d: {  	s3 =	simm.s32 $0x108;
	s8 =	sld [smem:$0x3FB5]  }
0x2e: {  	s3 =	simm.s32 @!p0 $0x1082;
	s9 =	sld [smem:$0x3FB6]  }
0x2f: {  	lr =	sadd.s32 s0, s3;
	s0 =	sld [smem:$0x3FAD]  }
0x30: {  	s3 =	sld [smem:$0x3FB0]  }
0x31: {  	[smem:$0x3FB9] =	sst s10  }
0x32: {  	s10 =	sld [smem:$0x3FB7];
	_ =	sdelay $0x3  }
0x33: {  	p0 =	seq.s32 s10, $0x1;
	s10 =	sld [smem:$0x3FB9];
	_ =	sdelay $0x3  }
0x34: {  	[smem:$0x3FB9] =	sst s10  }
0x35: {  	s10 =	sld [smem:$0x3FB8];
	_ =	sdelay $0x3  }
0x36: {  	p1 =	seq.s32 s10, $0x1;
	s10 =	sld [smem:$0x3FB9];
	_ =	sdelay $0x3  }
0x37: {  	[smem:$0x3FB9] =	sst s10  }
0x38: {  	s10 =	sld [smem:$0x3FBA]  }
0x39: {  	_ = 	snop;
	(pc) =	sbr.ind lr, $3  }
0x3a: {  	_ = 	snop  }
0x3b: {  	_ = 	snop  }
0x3c: {  	p2 =	seq.s32 s10, $0x1;
	s10 =	sld [smem:$0x3FB9]  }
0x3d: {  	_ =	shalt  }
0x3e: {  	_ =	shalt  }
0x3f: {  	_ =	shalt  }
0x40: {  	_ =	shalt  }
0x41: {  	_ =	shalt  }
0x42: {  	_ =	shalt  }
0x43: {  	_ =	shalt  }
0x44: {  	_ =	shalt  }
0x45: {  	_ =	shalt  }
0x46: {  	_ =	shalt  }
0x47: {  	_ =	shalt  }
0x48: {  	_ =	shalt  }
0x49: {  	_ =	shalt  }
0x4a: {  	_ =	shalt  }
0x4b: {  	_ =	shalt  }
0x4c: {  	_ =	shalt  }
0x4d: {  	_ =	shalt  }
0x4e: {  	_ =	shalt  }
0x4f: {  	_ =	shalt  }
0x50: {  	_ =	shalt  }
0x51: {  	_ =	shalt  }
0x52: {  	_ =	shalt  }
0x53: {  	_ =	shalt  }
0x54: {  	_ =	shalt  }
0x55: {  	_ =	shalt  }
0x56: {  	_ =	shalt  }
0x57: {  	_ =	shalt  }
0x58: {  	_ =	shalt  }
0x59: {  	_ =	shalt  }
0x5a: {  	_ =	shalt  }
0x5b: {  	_ =	shalt  }
0x5c: {  	_ =	shalt  }
0x5d: {  	_ =	shalt  }
0x5e: {  	_ =	shalt  }
0x5f: {  	_ =	shalt  }
0x60: {  	_ =	shalt  }
0x61: {  	_ =	shalt  }
0x62: {  	_ =	shalt  }
0x63: {  	_ =	shalt  }
0x64: {  	_ =	shalt  }
0x65: {  	_ =	shalt  }
0x66: {  	_ =	shalt  }
0x67: {  	_ =	shalt  }
0x68: {  	_ =	shalt  }
0x69: {  	_ =	shalt  }
0x6a: {  	_ =	shalt  }
0x6b: {  	_ =	shalt  }
0x6c: {  	_ =	shalt  }
0x6d: {  	_ =	shalt  }
0x6e: {  	_ =	shalt  }
0x6f: {  	_ =	shalt  }
0x70: {  	_ =	shalt  }
0x71: {  	_ =	shalt  }
0x72: {  	_ =	shalt  }
0x73: {  	_ =	shalt  }
0x74: {  	_ =	shalt  }
0x75: {  	_ =	shalt  }
0x76: {  	_ =	shalt  }
0x77: {  	_ =	shalt  }
0x78: {  	_ =	shalt  }
0x79: {  	_ =	shalt  }
0x7a: {  	_ =	shalt  }
0x7b: {  	_ =	shalt  }
0x7c: {  	_ =	shalt  }
0x7d: {  	_ =	shalt  }
0x7e: {  	_ =	shalt  }
0x7f: {  	_ =	shalt  }
0x80: {  	_ =	shalt  }
0x81: {  	_ =	shalt  }
0x82: {  	_ =	shalt  }
0x83: {  	_ =	shalt  }
0x84: {  	_ =	shalt  }
0x85: {  	_ =	shalt  }
0x86: {  	_ =	shalt  }
0x87: {  	_ =	shalt  }
.Lfunc_end0:
.L_simem_size_0:
called_computation_lowered:
.L_overlay_start_0:
0x88: {  	s2 =	sld [smem:$0x3FD9]  }
0x89: {  	s3 =	sld [smem:$0x3FFE];
	_ =	sdelay $0x1  }
0x8a: {  	s1 =	srdreg.scid  }
0x8b: {  	s0 =	sand.u32 $0x1, s1  }
0x8c: {  	s14 =	sshll.u32 s0, $0xA;
	s2 =	sadd.s32 s3, s2  }
0x8d: {  	s2 =	sadd.s32 s2, s14  }
0x8e: {  	[smem:$0x3FC5] =	sst s2  }
0x8f: {  	_ = 	snop  }
0x90: {  	s2 =	sld [smem:$0x3FD0];
	_ =	sdelay $0x2  }
0x91: {  	s4 =	simm.s32 $0xA;
	s5 =	simm.s32 $0x10;
	s15 =	sld [smem:$0x3FC8]  }
0x92: {  	[smem:s5], [sflag:s4] =	dma.local [hbm:s2], $0x1  }
0x93: {  	_ =	swait.eq [sflag:s4], $0x1  }
0x94: {  	[sflag:s4] =	ssyncset.done $0x0  }
0x95: {  	[sflag:s4] =	ssyncadd.s32 $0xFFFFFFFF  }
0x96: {  	s16 =	sld [smem:$0x10];
	(tm) =	ssettm $0x1  }
0x97: {  	s17 =	sld [smem:$0x3FFB];
	_ =	sdelay $0x3  }
0x98: {  	_ =	strace s17  }
0x99: {  	s4 =	sld [smem:$0x3FFC];
	_ =	sdelay $0x3  }
0x9a: {  	_ =	strace s4  }
0x9b: {  	s4 =	sld [smem:$0x3FFD];
	_ =	sdelay $0x3  }
0x9c: {  	_ =	strace s4  }
0x9d: {  	_ =	strace $0x8FFFFFFF  }
0x9e: {  	s18 =	sld [smem:$0x3FDB];
	_ =	sdelay $0x1  }
0x9f: {  	s19 =	simm.s32 $_scs_section_size  }
0xa0: {  	s6 =	simm.s32 $_size__tile_overlayer_lowered;
	s7 =	simm.s32 $_tile_overlayer_lowered  }
0xa1: {  	s22 =	simm.s32 $0x1BFF;
	s21 =	sshll.u32 s7, $0x1;
	s4 =	sadd.s32 s19, s18  }
0xa2: {  	s8 =	simm.s32 $0x0;
	s20 =	sshll.u32 s6, $0x1;
	s6 =	sadd.s32 s21, s4  }
0xa3: {  	[timem:s8], [sflag:s22] =	dma.local [hbm:s6], s20  }
0xa4: {  	_ =	swait.ge [sflag:s22], s20  }
0xa5: {  	s5 =	ssub.s32 $0x0, s20;
	[sflag:s22] =	ssyncset.done $0x0  }
0xa6: {  	[sflag:s22] =	ssyncadd.s32 s5;
	_ =	sdelay $0x1  }
0xa7: {  	s23 =	simm.s32 $0x1B8B  }
0xa8: {  	_ =	swait.ge [sflag:s23], $0x1  }
0xa9: {  	[sflag:s23] =	ssyncset.done $0x0  }
0xaa: {  	s25 =	simm.s32 $0x1B8E;
	s24 =	sld [smem:$0x3FFE];
	[sflag:s23] =	ssyncadd.s32 $0xFFFFFFFF  }
0xab: {  	s26 =	simm.s32 $execute0_lowered;
	[smem:$0x3FD2] =	sst s25  }
0xac: {  	s6 =	sshll.u32 s26, $0x1;
	_ =	strace $0x80000046;
	[dreg:$0x1] =	wrdreg $0xFFFFFFFF  }
0xad: {  	s28 =	simm.s32 $_size_execute0_lowered;
	s4 =	sadd.s32 s4, s6;
	[dreg:$0x0] =	wrdreg $0x0  }
0xae: {  	s6 =	sshll.u32 s28, $0x1;
	[dreg:$0x2] =	wrdreg s4  }
0xaf: {  	[dreg:$0x3] =	wrdreg s6  }
0xb0: {  	[dreg:$0x4] =	wrdreg $0xC0  }
0xb1: {  	_ =	task [dreg:s8], $0x5FFFF  }
0xb2: {  	[dreg:$0x1] =	wrdreg $0xFFFFFFFF  }
0xb3: {  	[dreg:$0x0] =	wrdreg $0x60  }
0xb4: {  	[dreg:$0x2] =	wrdreg s24  }
0xb5: {  	[dreg:$0x3] =	wrdreg s15  }
0xb6: {  	[dreg:$0x4] =	wrdreg s16  }
0xb7: {  	[dreg:$0x5] =	wrdreg $0x9  }
0xb8: {  	_ =	task.clear_ibuf [dreg:s8], $0x6FFFF;
	_ =	strace $0x90000046  }
0xb9: {  	s29 =	simm.s32 $0x9;
	_ =	strace $0x80000048  }
0xba: {  	_ =	swait.ge [sflag:s29], $0x1  }
0xbb: {  	[sflag:s29] =	ssyncadd.s32 $0xFFFFFFFF  }
0xbc: {  	_ =	strace $0x90000048  }
0xbd: {  	_ =	sfence  }
0xbe: {  	s30 =	sld [smem:$0x0];
	_ =	sdelay $0x2  }
0xbf: {  	s31 =	sshll.u32 s1, $0xD;
	s1 =	sshrl.u32 s1, $0x2  }
0xc0: {  	s3 =	sand.u32 $0x4000, s31;
	s1 =	sadd.s32 s1, s30  }
0xc1: {  	s0 =	sor.u32 s3, s0;
	s1 =	sshll.u32 s1, $0x11  }
0xc2: {  	s0 =	sor.u32 s1, s0  }
0xc3: {  	s0 =	sadd.s32 $0x8F2B, s0  }
0xc4: {  	[sflag:s0] =	ssyncadd.remote.s32 $0x1  }
0xc5: {  	_ =	sfence.sel $0xFFFF  }
0xc6: {  	[dreg:$0x0] =	wrdreg $0xFFFFFFFF;
	(pc) =	sbr.abs _section_cstart, $3  }
0xc7: {  	[dreg:$0x1] =	wrdreg $0xFFFFFFFF  }
0xc8: {  	_ =	task.clear_ibuf [dreg:s8], $0x2FFFF;
	_ =	strace $0x9FFFFFFF  }
0xc9: {  	(tm) =	ssettm $0x7FFFFFFF  }
tec
execute0_lowered:
.L_overlay_start_1:
0x0: {  	(tag) =	ssettag $0x1  }
0x1: {  	s1 =	srdreg.scid  }
0x2: {  	s4 =	rddreg [dreg:$0x0];
	s0 =	stileid.u32;
	s16 =	sand.u32 $0x1, s1  }
0x3: {  	s2 =	rddreg [dreg:$0x1];
	s30 =	sshll.u32 s0, $0x5;
	s3 =	sshll.u32 s16, $0x4  }
0x4: {  	s18 =	rddreg [dreg:$0x2];
	s19 =	sor.u32 s3, s30  }
0x5: {  	s1 =	rddreg [dreg:$0x3];
	s3 =	simm.s32 $0x0;
	s5 =	sshrl.u32 s19, $0x3  }
0x6: {  	[smem:$0x7FF] =	sst s3;
	s4 =	sadd.s32 s5, s4  }
0x7: {  	_ =	strace $0x80000047;
	s5 =	sadd.s32 $0x1C00, s4;
	s4 =	simm.s32 $0x2  }
0x8: {  	[tilespmem:s3], [sflag:$0x2] =	stream.linear.gather [hbm4b:s5+s3], $0x10, $0x38;
	[tilespmem:$0x4080] =	vst v63  }
0x9: {  	_ =	swait.ge [sflag:s4], $0x10  }
0xa: {  	[sflag:s4] =	ssyncset.done $0x0  }
0xb: {  	[sflag:s4] =	ssyncadd.s32 $0xFFFFFFF0  }
0xc: {  	v0 =	vld [tilespmem:$0x0];
	_ =	sdelay $0x4  }
0xd: {  	v1 =	vshll.u32 v0, $0x3  }
0xe: {  	v2 =	vlaneseq.u32;
	v3 =	vand.u32 $0x7, v0;
	v1 =	vand.u32 $0xFFFFFFC0, v1  }
0xf: {  	v4 =	vshrl.u32 v2, $0x3;
	v0 =	vand.u32 $0x7, v2;
	v3 =	vor.u32 v3, v1  }
0x10: {  	v1 =	vmul.u32 $0x8, v4;
	v63 =	vperm.xlane v3, v0;
	_ =	sdelay $0x1  }
0x11: {  	v4 =	vadd.s32 v1, v63;
	_ =	sdelay $0x3  }
0x12: {  	vm0 =	vmmov $0xffff;
	s6 =	simm.s32 $0x80  }
0x13: {  	v2 =	vor.u32 $0x8, v2;
	[tilespmem:s6], [sflag:$0x1] =	stream.indirect_vreg.gather [hbm4b:s2+s3], $0x80, v4, vm0, $0xb8;
	[tilespmem:$0x4080] =	vst v63  }
0x14: {  	s8 =	simm.s32 $0x880;
	s7 =	sadd.s32 $0x100, s2;
	v3 =	vperm.xlane v3, v2  }
0x15: {  	[tilespmem:s8], [sflag:$0x1] =	stream.indirect_vreg.gather [hbm4b:s7+s3], $0x80, v4, vm0, $0xb8;
	[tilespmem:$0x4080] =	vst v63  }
0x16: {  	s10 =	simm.s32 $0x1080;
	s9 =	sadd.s32 $0x200, s2;
	v3 =	vadd.s32 v1, v3  }
0x17: {  	[tilespmem:s10], [sflag:$0x1] =	stream.indirect_vreg.gather [hbm4b:s9+s3], $0x80, v4, vm0, $0xb8;
	[tilespmem:$0x4080] =	vst v63  }
0x18: {  	s12 =	simm.s32 $0x1880;
	s11 =	sadd.s32 $0x300, s2  }
0x19: {  	[tilespmem:s12], [sflag:$0x1] =	stream.indirect_vreg.gather [hbm4b:s11+s3], $0x80, v4, vm0, $0xb8;
	[tilespmem:$0x4080] =	vst v63  }
0x1a: {  	s13 =	simm.s32 $0x2080;
	s20 =	ssub.s32 $0x2, s16  }
0x1b: {  	[tilespmem:s13], [sflag:$0x1] =	stream.indirect_vreg.gather [hbm4b:s2+s3], $0x80, v3, vm0, $0xb8;
	[tilespmem:$0x4080] =	vst v63  }
0x1c: {  	s14 =	simm.s32 $0x2880;
	s21 =	sshrl.u32 s20, $0x1  }
0x1d: {  	[tilespmem:s14], [sflag:$0x1] =	stream.indirect_vreg.gather [hbm4b:s7+s3], $0x80, v3, vm0, $0xb8;
	[tilespmem:$0x4080] =	vst v63  }
0x1e: {  	s15 =	simm.s32 $0x3080;
	s20 =	ssub.s32 s20, s21  }
0x1f: {  	[tilespmem:s15], [sflag:$0x1] =	stream.indirect_vreg.gather [hbm4b:s9+s3], $0x80, v3, vm0, $0xb8;
	[tilespmem:$0x4080] =	vst v63  }
0x20: {  	s17 =	simm.s32 $0x1;
	s16 =	simm.s32 $0x3880;
	s31 =	smax.u32 s20, $0x1  }
0x21: {  	[tilespmem:s16], [sflag:$0x1] =	stream.indirect_vreg.gather [hbm4b:s11+s3], $0x80, v3, vm0, $0xb8;
	[tilespmem:$0x4080] =	vst v63  }
0x22: {  	p0 =	sne.s32 s31, $0x1;
	_ =	swait.ge [sflag:s17], $0x4000  }
.Ltmp0:
0x23: {  	s19 =	sshll.u32 s19, $0x7;
	[sflag:s17] =	ssyncset.done $0x0;
	(pc) =	sbr.rel @!p0 .LBB2_2-.Ltmp0, $4  }
0x24: {  	s18 =	sadd.s32 s18, s19;
	[sflag:s17] =	ssyncadd.s32 $0xFFFFC000  }
0x25: {  	[hbm4b:s18+s3] =	stream.linear.scatter [tilespmem:s6], [sflag:$0x2], $0x4000, $0x38;
	[tilespmem:$0x4080] =	vst v63  }
0x26: {  	_ =	swait.ge [sflag:s4], $0x4000  }
0x27: {  	s19 =	sadd.s32 $0xFFFFFFFF, s31;
	[sflag:s4] =	ssyncset.done $0x0  }
.LBB2_1:
0x28: {  	p0 =	sne.s32 s19, $0x1;
	s19 =	sadd.s32 $0xFFFFFFFF, s19;
	[sflag:s4] =	ssyncadd.s32 $0xFFFFC000  }
0x29: {  	[tilespmem:s3], [sflag:$0x2] =	stream.linear.gather [hbm4b:s5+s3], $0x10, $0x38;
	[tilespmem:$0x4080] =	vst v63  }
0x2a: {  	_ =	swait.ge [sflag:s4], $0x10  }
0x2b: {  	[sflag:s4] =	ssyncset.done $0x0  }
0x2c: {  	[sflag:s4] =	ssyncadd.s32 $0xFFFFFFF0  }
0x2d: {  	v3 =	vld [tilespmem:$0x0];
	_ =	sdelay $0x4  }
0x2e: {  	v4 =	vshll.u32 v3, $0x3  }
0x2f: {  	v3 =	vand.u32 $0x7, v3;
	v4 =	vand.u32 $0xFFFFFFC0, v4  }
0x30: {  	v3 =	vor.u32 v3, v4  }
0x31: {  	v4 =	vperm.xlane v3, v0;
	v3 =	vperm.xlane v3, v2;
	_ =	sdelay $0x1  }
0x32: {  	v4 =	vadd.s32 v1, v4;
	_ =	sdelay $0x4  }
0x33: {  	[tilespmem:s6], [sflag:$0x1] =	stream.indirect_vreg.gather [hbm4b:s2+s3], $0x80, v4, vm0, $0xb8;
	[tilespmem:$0x4080] =	vst v63  }
0x34: {  	_ = 	snop  }
0x35: {  	[tilespmem:s8], [sflag:$0x1] =	stream.indirect_vreg.gather [hbm4b:s7+s3], $0x80, v4, vm0, $0xb8;
	[tilespmem:$0x4080] =	vst v63  }
0x36: {  	v3 =	vadd.s32 v1, v3  }
0x37: {  	[tilespmem:s10], [sflag:$0x1] =	stream.indirect_vreg.gather [hbm4b:s9+s3], $0x80, v4, vm0, $0xb8;
	[tilespmem:$0x4080] =	vst v63  }
0x38: {  	_ = 	snop  }
0x39: {  	[tilespmem:s12], [sflag:$0x1] =	stream.indirect_vreg.gather [hbm4b:s11+s3], $0x80, v4, vm0, $0xb8;
	[tilespmem:$0x4080] =	vst v63  }
0x3a: {  	_ = 	snop  }
0x3b: {  	[tilespmem:s13], [sflag:$0x1] =	stream.indirect_vreg.gather [hbm4b:s2+s3], $0x80, v3, vm0, $0xb8;
	[tilespmem:$0x4080] =	vst v63  }
0x3c: {  	_ = 	snop  }
0x3d: {  	[tilespmem:s14], [sflag:$0x1] =	stream.indirect_vreg.gather [hbm4b:s7+s3], $0x80, v3, vm0, $0xb8;
	[tilespmem:$0x4080] =	vst v63  }
0x3e: {  	_ = 	snop  }
0x3f: {  	[tilespmem:s15], [sflag:$0x1] =	stream.indirect_vreg.gather [hbm4b:s9+s3], $0x80, v3, vm0, $0xb8;
	[tilespmem:$0x4080] =	vst v63  }
0x40: {  	_ = 	snop  }
0x41: {  	[tilespmem:s16], [sflag:$0x1] =	stream.indirect_vreg.gather [hbm4b:s11+s3], $0x80, v3, vm0, $0xb8;
	[tilespmem:$0x4080] =	vst v63  }
0x42: {  	_ =	swait.ge [sflag:s17], $0x4000  }
.Ltmp1:
0x43: {  	[sflag:s17] =	ssyncset.done $0x0;
	(pc) =	sbr.rel @p0 .LBB2_1-.Ltmp1, $4  }
0x44: {  	[sflag:s17] =	ssyncadd.s32 $0xFFFFC000  }
0x45: {  	[hbm4b:s18+s3] =	stream.linear.scatter [tilespmem:s6], [sflag:$0x2], $0x4000, $0x38;
	[tilespmem:$0x4080] =	vst v63  }
0x46: {  	_ =	swait.ge [sflag:s4], $0x4000  }
0x47: {  	[sflag:s4] =	ssyncset.done $0x0  }
.LBB2_2:
0x48: {  	[sflag:s4] =	ssyncadd.s32 $0xFFFFC000  }
0x49: {  	_ =	sfence.sel $0x180000  }
0x4a: {  	[bflag:$0x0] =	sbarrier.arrive $0xFFFF  }
0x4b: {  	p0 =	sne.s32 s0, $0x0;
	_ =	strace $0x90000047  }
0x4c: {  	s0 =	sadd.s32 @!p0 $0x100000, s1;
	[bflag:$0x2] =	sbarrier.arrive $0xFFFF  }
0x4d: {  	[sflag:s0] =	ssyncadd.tile.s32 @!p0 $0x1;
	_ =	shalt  }
.Lfunc_end2:
_tile_overlayer_lowered:
.L_overlay_start_2:
0x4e: {  	(tag) =	ssettag $0x2  }
0x4f: {  	s0 =	rddreg [dreg:$0x0];
	s2 =	stileid.u32  }
0x50: {  	s1 =	rddreg [dreg:$0x1];
	p0 =	sne.s32 s2, $0x0  }
0x51: {  	s3 =	rddreg [dreg:$0x2];
	[bflag:$0x3] =	sbarrier.arrive $0xFFFF;
	s2 =	simm.s32 @!p0 $0x1C02  }
0x52: {  	[timem:s3], [sflag:s2] =	dma.local @!p0 [hbm:s0], s1  }
0x53: {  	s0 =	simm.s32 @!p0 $0x2  }
0x54: {  	_ =	swait.ge @!p0 [sflag:s0], s1  }
0x55: {  	s1 =	ssub.s32 @!p0 $0x0, s1;
	[sflag:s0] =	ssyncset.done @!p0 $0x0  }
0x56: {  	[sflag:s0] =	ssyncadd.s32 @!p0 s1  }
0x57: {  	[bflag:$0x3] =	sbarrier.arrive $0xFFFF  }
0x58: {  	_ =	shalt  }

</sc_bundles>
